<compile_context>
chip_gen: v7x
topology: tpu7x:2x2x1
jax: 0.10.2.dev20260603
libtpu: 0.0.44.dev20260713+nightly
codegen_flags: <defaults>
</compile_context>

<pallas_src>
import functools

import jax
import jax.numpy as jnp
from jax import lax
from jax.experimental import pallas as pl
from jax.experimental.pallas import tpu as pltpu
from jax.experimental.pallas import tpu_sc as plsc

SEQ = 512
TGT = 128
LOC_EMB = 128
TIM_SIZE = 48
TIM_EMB = 32
UID_SIZE = 1000
UID_EMB = 64
DIM = LOC_EMB + TIM_EMB
OUTD = DIM + UID_EMB
VOCAB = 100000
TILE = 10240
NT = -(-VOCAB // TILE)

_NC = 2
_ROWS_PER_WORKER = 8


def _sc_gather_rows(table, idx):
    mesh = plsc.VectorSubcoreMesh(core_axis_name="c", subcore_axis_name="s")

    @functools.partial(
        pl.kernel,
        mesh=mesh,
        out_type=jax.ShapeDtypeStruct((TGT, LOC_EMB), jnp.float32),
        scratch_types=[
            pltpu.VMEM((_ROWS_PER_WORKER,), jnp.int32),
            pltpu.VMEM((_ROWS_PER_WORKER, LOC_EMB), jnp.float32),
            pltpu.SemaphoreType.DMA,
        ],
    )
    def gather_kernel(table_hbm, idx_hbm, out_hbm, idx_v, rows_v, sem):
        wid = lax.axis_index("s") * _NC + lax.axis_index("c")

        @pl.when(wid < TGT // _ROWS_PER_WORKER)
        def _():
            base = wid * _ROWS_PER_WORKER
            pltpu.sync_copy(idx_hbm.at[pl.ds(base, _ROWS_PER_WORKER)], idx_v)
            pltpu.async_copy(table_hbm.at[idx_v], rows_v, sem).wait()
            pltpu.sync_copy(rows_v, out_hbm.at[pl.ds(base, _ROWS_PER_WORKER)])

    return gather_kernel(table, idx)


def _fused_body(lx_ref, tim_ref, uid_ref, etw_ref, euw_ref,
                whr_ref, bhr_ref, whz_ref, bhz_ref, whh_ref, bhh_ref,
                wf_ref, bf_ref, out_ref, x_s, ybuf, m_s, s_s):
    p = pl.program_id(0)
    j = pl.program_id(1)

    @pl.when((p == 0) & (j == 0))
    def _prologue():
        lx = lx_ref[...]
        tids = tim_ref[...]
        oh_t = (lax.broadcasted_iota(jnp.int32, (TGT, TIM_SIZE), 1)
                == tids).astype(jnp.float32)
        tx = jnp.dot(oh_t, etw_ref[...], preferred_element_type=jnp.float32)
        x = jnp.concatenate([lx, tx], axis=1)
        e = jax.lax.dot_general(x, x, (((1,), (1,)), ((), ())),
                                preferred_element_type=jnp.float32)
        e = e - jnp.max(e, axis=1, keepdims=True)
        w = jnp.exp(e)
        w = w / jnp.sum(w, axis=1, keepdims=True)
        h = jnp.dot(w, x, preferred_element_type=jnp.float32)
        for _ in range(4):
            r = jax.nn.sigmoid(
                lax.dot_general(h, whr_ref[...], (((1,), (1,)), ((), ())),
                                preferred_element_type=jnp.float32)
                + bhr_ref[...])
            z = jax.nn.sigmoid(
                lax.dot_general(h, whz_ref[...], (((1,), (1,)), ((), ())),
                                preferred_element_type=jnp.float32)
                + bhz_ref[...])
            u = jnp.tanh(
                lax.dot_general(r * h, whh_ref[...], (((1,), (1,)), ((), ())),
                                preferred_element_type=jnp.float32)
                + bhh_ref[...])
            h = h + 0.25 * (1.0 - z) * (u - h)
        oh_u = (lax.broadcasted_iota(jnp.int32, (TGT, UID_SIZE), 1)
                == uid_ref[...]).astype(jnp.float32)
        ue = jnp.dot(oh_u, euw_ref[...], preferred_element_type=jnp.float32)
        x224 = jnp.concatenate([h, ue], axis=1)
        x_s[...] = x224.astype(jnp.bfloat16)
        m_s[...] = jnp.full((TGT, 1), -jnp.inf, jnp.float32)
        s_s[...] = jnp.zeros((TGT, 1), jnp.float32)

    @pl.when(p == 0)
    def _accumulate():
        y = lax.dot_general(x_s[...], wf_ref[...].astype(jnp.bfloat16),
                            (((1,), (1,)), ((), ())),
                            preferred_element_type=jnp.float32) + bf_ref[...]
        ybuf[j] = y.astype(jnp.bfloat16)

        def _update(ym):
            m_old = m_s[...]
            m_new = jnp.maximum(m_old, jnp.max(ym, axis=1, keepdims=True))
            s_s[...] = (s_s[...] * jnp.exp(m_old - m_new)
                        + jnp.sum(jnp.exp(ym - m_new), axis=1, keepdims=True))
            m_s[...] = m_new

        @pl.when(j < NT - 1)
        def _full():
            _update(y)

        @pl.when(j == NT - 1)
        def _ragged():
            col = lax.broadcasted_iota(jnp.int32, (TGT, TILE), 1)
            _update(jnp.where(col < VOCAB - (NT - 1) * TILE, y, -jnp.inf))

    @pl.when(p == 1)
    def _writeout():
        lse = m_s[...] + jnp.log(s_s[...])
        out_ref[...] = ybuf[j].astype(jnp.float32) - lse


def kernel(loc, tim, history_loc, history_tim, history_count, uid, target_len,
           emb_loc_w, emb_tim_w, emb_uid_w, W_hr, b_hr, W_hz, b_hz,
           W_hh, b_hh, W_f, b_f):
    del history_loc, history_tim, history_count, target_len

    loc_tail = loc[SEQ - TGT:, 0]
    tim_tail = tim[SEQ - TGT:, :]
    uid2 = uid.reshape(1, 1)

    lx = _sc_gather_rows(emb_loc_w, loc_tail)

    const = lambda *_: (0, 0)
    grid = (2, NT)
    out = pl.pallas_call(
        _fused_body,
        grid=grid,
        in_specs=[
            pl.BlockSpec((TGT, LOC_EMB), const),
            pl.BlockSpec((TGT, 1), const),
            pl.BlockSpec((1, 1), const),
            pl.BlockSpec((TIM_SIZE, TIM_EMB), const),
            pl.BlockSpec((UID_SIZE, UID_EMB), const),
            pl.BlockSpec((DIM, DIM), const),
            pl.BlockSpec((1, DIM), const),
            pl.BlockSpec((DIM, DIM), const),
            pl.BlockSpec((1, DIM), const),
            pl.BlockSpec((DIM, DIM), const),
            pl.BlockSpec((1, DIM), const),
            pl.BlockSpec((TILE, OUTD),
                         lambda p, j: (j * (1 - p) + p * (NT - 1), 0)),
            pl.BlockSpec((1, TILE),
                         lambda p, j: (0, j * (1 - p) + p * (NT - 1))),
        ],
        out_specs=pl.BlockSpec((TGT, TILE), lambda p, j: (0, j * p)),
        out_shape=jax.ShapeDtypeStruct((TGT, VOCAB), jnp.float32),
        scratch_shapes=[
            pltpu.VMEM((TGT, OUTD), jnp.bfloat16),
            pltpu.VMEM((NT, TGT, TILE), jnp.bfloat16),
            pltpu.VMEM((TGT, 1), jnp.float32),
            pltpu.VMEM((TGT, 1), jnp.float32),
        ],
        compiler_params=pltpu.CompilerParams(
            dimension_semantics=("arbitrary", "arbitrary"),
            vmem_limit_bytes=100 * 1024 * 1024,
        ),
    )(lx, tim_tail, uid2, emb_tim_w, emb_uid_w,
      W_hr, b_hr.reshape(1, DIM), W_hz, b_hz.reshape(1, DIM),
      W_hh, b_hh.reshape(1, DIM), W_f, b_f.reshape(1, VOCAB))
    return out

# --- scband reference (transcript-rebuilt; emitter-appended) ---
"""Pipeline reference for scband-traj-pre-attn-avg-long-user2-90211493085342 (READ-ONLY COPY).

The authoritative reference and input builder live on the scoring server;
editing this copy changes nothing except your own understanding.
"""

import jax, jax.numpy as jnp
import numpy as np

LOC_SIZE = 100000; LOC_EMB = 128; TIM_SIZE = 48; TIM_EMB = 32
UID_SIZE = 1000; UID_EMB = 64; HID = 128
D = HID + TIM_EMB  # 160; requires loc_emb_size == hidden_size for dim consistency
SEQ = 512; TGT = 128; NSEG = 2048; CNT = 8; HTOT = NSEG * CNT


def setup_inputs(seed: int = 0) -> dict:
    key = jax.random.key(seed)
    ks = jax.random.split(key, 16)
    inp = {}
    inp['loc'] = jax.random.randint(ks[0], (SEQ, 1), 0, LOC_SIZE, dtype=jnp.int32)
    inp['tim'] = jax.random.randint(ks[1], (SEQ, 1), 0, TIM_SIZE, dtype=jnp.int32)
    inp['history_loc'] = jax.random.randint(ks[2], (HTOT, 1), 0, LOC_SIZE, dtype=jnp.int32)
    inp['history_tim'] = jax.random.randint(ks[3], (HTOT, 1), 0, TIM_SIZE, dtype=jnp.int32)
    inp['history_count'] = jnp.full((NSEG,), CNT, dtype=jnp.int32)
    inp['uid'] = jax.random.randint(ks[4], (1,), 0, UID_SIZE, dtype=jnp.int32)
    inp['target_len'] = TGT
    inp['emb_loc_w'] = jax.random.normal(ks[5], (LOC_SIZE, LOC_EMB), jnp.float32) * 0.02
    inp['emb_tim_w'] = jax.random.normal(ks[6], (TIM_SIZE, TIM_EMB), jnp.float32) * 0.02
    inp['emb_uid_w'] = jax.random.normal(ks[7], (UID_SIZE, UID_EMB), jnp.float32) * 0.02
    s = 1.0 / np.sqrt(D)
    inp['W_hr'] = jax.random.uniform(ks[8], (D, D), jnp.float32, -s, s)
    inp['b_hr'] = jnp.zeros((D,), jnp.float32)
    inp['W_hz'] = jax.random.uniform(ks[9], (D, D), jnp.float32, -s, s)
    inp['b_hz'] = jnp.zeros((D,), jnp.float32)
    inp['W_hh'] = jax.random.uniform(ks[10], (D, D), jnp.float32, -s, s)
    inp['b_hh'] = jnp.zeros((D,), jnp.float32)
    sf = 1.0 / np.sqrt(D + UID_EMB)
    inp['W_f'] = jax.random.uniform(ks[11], (LOC_SIZE, D + UID_EMB), jnp.float32, -sf, sf)
    inp['b_f'] = jnp.zeros((LOC_SIZE,), jnp.float32)
    return inp


def _forward(loc, tim, history_loc, history_tim, history_count, uid, target_len,
             emb_loc_w, emb_tim_w, emb_uid_w, W_hr, b_hr, W_hz, b_hz, W_hh, b_hh, W_f, b_f):
    # embedding lookups for the recent trajectory
    loc_emb = emb_loc_w[loc]                       # [S,1,128]
    tim_emb = emb_tim_w[tim]                       # [S,1,32]
    x = jnp.concatenate([loc_emb, tim_emb], axis=2).squeeze(1)  # [S,160]
    x = jax.lax.dynamic_slice_in_dim(x, x.shape[0] - target_len, TGT, axis=0)  # [T,160]; dropout is identity at eval
    # Attn(method='dot'): energies[i,j] = x[i] . x[j]; softmax over seq dim
    energies = x @ x.T
    attn_w = jax.nn.softmax(energies, axis=1)
    x_attn = attn_w @ x                            # [T,160]
    # history embeddings
    loc_h = emb_loc_w[history_loc].squeeze(1)      # [HTOT,128]
    tim_h = emb_tim_w[history_tim].squeeze(1)      # [HTOT,32]
    # segment mean over history_count segments (the python loop in torch forward)
    nseg = history_count.shape[0]
    seg_ids = jnp.repeat(jnp.arange(nseg), history_count, total_repeat_length=loc_h.shape[0])
    seg_sum = jax.ops.segment_sum(loc_h, seg_ids, num_segments=nseg)
    loc_h2 = seg_sum / history_count.astype(jnp.float32)[:, None]   # [NSEG,128]
    offsets = jnp.cumsum(history_count) - history_count             # segment starts
    tim_h2 = tim_h[offsets]                                         # first tim emb per segment
    history = jnp.concatenate([loc_h2, tim_h2], axis=1)             # [NSEG,160]
    h = jnp.concatenate([history, x_attn], axis=0)                  # [NSEG+T,160]
    # ODEBlock with FullGRUODECell_Autonomous: fixed-step Euler, t in [0,1], 4 steps
    dt = 0.25
    for _ in range(4):
        r = jax.nn.sigmoid(h @ W_hr.T + b_hr)
        z = jax.nn.sigmoid(h @ W_hz.T + b_hz)
        u = jnp.tanh((r * h) @ W_hh.T + b_hh)
        h = h + dt * (1.0 - z) * (u - h)
    out = jax.lax.dynamic_slice_in_dim(h, h.shape[0] - target_len, TGT, axis=0)  # [T,160]
    uid_emb = jnp.tile(emb_uid_w[uid], (TGT, 1))   # [T,64]
    out = jnp.concatenate([out, uid_emb], axis=1)  # [T,224]
    y = out @ W_f.T + b_f                          # [T,100000]
    return jax.nn.log_softmax(y, axis=1)


def reference(loc, tim, history_loc, history_tim, history_count, uid, target_len,
              emb_loc_w, emb_tim_w, emb_uid_w, W_hr, b_hr, W_hz, b_hz, W_hh, b_hh, W_f, b_f):
    return _forward(loc, tim, history_loc, history_tim, history_count, uid, target_len,
                    emb_loc_w, emb_tim_w, emb_uid_w, W_hr, b_hr, W_hz, b_hz, W_hh, b_hh, W_f, b_f)

if __name__ == "__main__":
    import jax
    _d = setup_inputs()
    print(jax.jit(kernel)(*tuple(_d.values())))

</pallas_src>

<mosaic_0001>
#map = affine_map<(d0, d1) -> (0, 0)>
#map1 = affine_map<(d0, d1) -> (0)>
module attributes {stable_mosaic.version = 14 : i64} {
  func.func @gather_kernel(%arg0: i32, %arg1: i32, %arg2: memref<100000x128xf32, #tpu.memory_space<hbm>>, %arg3: memref<128xi32, #tpu.memory_space<hbm>>, %arg4: memref<128x128xf32, #tpu.memory_space<hbm>>, %arg5: memref<8xi32, #tpu.memory_space<vmem>>, %arg6: memref<8x128xf32, #tpu.memory_space<vmem>>, %arg7: memref<!tpu.dma_semaphore, #tpu.memory_space<semaphore_mem>>) attributes {dimension_semantics = [#tpu.dimension_semantics<core_parallel>, #tpu.dimension_semantics<subcore_parallel>], iteration_bounds = array<i64: 2, 16>, scalar_prefetch = 0 : i64, scratch_operands = 3 : i64, tpu.core_type = #tpu.core_type<sc_vector_subcore>, window_params = [{transform_indices = #map}, {transform_indices = #map1}, {transform_indices = #map}]} {
    %mul3A = arith.constant 2 : i32
    %mul3A_0 = arith.muli %arg1, %mul3A : i32
    %add3A = arith.addi %mul3A_0, %arg0 : i32
    %lt3A = arith.constant 16 : i32
    %lt3A_1 = arith.cmpi slt, %add3A, %lt3A : i32
    %convert_element_type3A = arith.extui %lt3A_1 : i1 to i32
    %cond3A = arith.constant 0 : i32
    %cond3A_2 = arith.cmpi ne, %convert_element_type3A, %cond3A : i32
    scf.if %cond3A_2 {
      %mul3A_3 = arith.constant 8 : i32
      %mul3A_4 = arith.muli %add3A, %mul3A_3 : i32
      "tpu.region"() ({
        %run_scoped3A = tpu.sem_alloc : memref<!tpu.dma_semaphore, #tpu.memory_space<semaphore_mem>>
        %dma_start3A_9 = tpu.memref_slice %arg3[%mul3A_4] : memref<128xi32, #tpu.memory_space<hbm>> -> memref<8xi32, #tpu.memory_space<hbm>>
        %dma_start3A_10 = tpu.memref_slice %arg3[%mul3A_4] : memref<128xi32, #tpu.memory_space<hbm>> -> memref<8xi32, #tpu.memory_space<hbm>>
        tpu.enqueue_dma source(%dma_start3A_10 : memref<8xi32, #tpu.memory_space<hbm>>) target(%arg5 : memref<8xi32, #tpu.memory_space<vmem>>) target_semaphore(%run_scoped3A : memref<!tpu.dma_semaphore, #tpu.memory_space<semaphore_mem>>)
        %dma_wait3A_11 = tpu.memref_slice %arg3[%mul3A_4] : memref<128xi32, #tpu.memory_space<hbm>> -> memref<8xi32, #tpu.memory_space<hbm>>
        %dma_wait3A_12 = tpu.memref_slice %arg3[%mul3A_4] : memref<128xi32, #tpu.memory_space<hbm>> -> memref<8xi32, #tpu.memory_space<hbm>>
        tpu.wait_dma2 semaphore(%run_scoped3A : memref<!tpu.dma_semaphore, #tpu.memory_space<semaphore_mem>>) src(%dma_wait3A_12 : memref<8xi32, #tpu.memory_space<hbm>>) dst(%arg5 : memref<8xi32, #tpu.memory_space<vmem>>)
        tpu.yield
      }) : () -> ()
      %dma_start3A = arith.constant 0 : i32
      %dma_start3A_5 = arith.constant 0 : i32
      %dma_start3A_6 = tpu.memref_slice %arg2[%dma_start3A, %dma_start3A_5] : memref<100000x128xf32, #tpu.memory_space<hbm>> -> memref<100000x128xf32, #tpu.memory_space<hbm>>
      tpu.enqueue_indirect_dma source(%dma_start3A_6 : memref<100000x128xf32, #tpu.memory_space<hbm>>) target(%arg6 : memref<8x128xf32, #tpu.memory_space<vmem>>) offsets(%arg5 : memref<8xi32, #tpu.memory_space<vmem>>) semaphore(%arg7 : memref<!tpu.dma_semaphore, #tpu.memory_space<semaphore_mem>>)
      %dma_wait3A = arith.constant 0 : i32
      %dma_wait3A_7 = arith.constant 0 : i32
      %dma_wait3A_8 = tpu.memref_slice %arg2[%dma_wait3A, %dma_wait3A_7] : memref<100000x128xf32, #tpu.memory_space<hbm>> -> memref<100000x128xf32, #tpu.memory_space<hbm>>
      tpu.wait_indirect_dma semaphore(%arg7 : memref<!tpu.dma_semaphore, #tpu.memory_space<semaphore_mem>>) src(%dma_wait3A_8 : memref<100000x128xf32, #tpu.memory_space<hbm>>) dst(%arg6 : memref<8x128xf32, #tpu.memory_space<vmem>>)
      "tpu.region"() ({
        %run_scoped3A = tpu.sem_alloc : memref<!tpu.dma_semaphore, #tpu.memory_space<semaphore_mem>>
        %dma_start3A_9 = arith.constant 0 : i32
        %dma_start3A_10 = tpu.memref_slice %arg4[%mul3A_4, %dma_start3A_9] : memref<128x128xf32, #tpu.memory_space<hbm>> -> memref<8x128xf32, #tpu.memory_space<hbm>>
        %dma_start3A_11 = arith.constant 0 : i32
        %dma_start3A_12 = tpu.memref_slice %arg4[%mul3A_4, %dma_start3A_11] : memref<128x128xf32, #tpu.memory_space<hbm>> -> memref<8x128xf32, #tpu.memory_space<hbm>>
        tpu.enqueue_dma source(%arg6 : memref<8x128xf32, #tpu.memory_space<vmem>>) target(%dma_start3A_12 : memref<8x128xf32, #tpu.memory_space<hbm>>) target_semaphore(%run_scoped3A : memref<!tpu.dma_semaphore, #tpu.memory_space<semaphore_mem>>)
        %dma_wait3A_13 = arith.constant 0 : i32
        %dma_wait3A_14 = tpu.memref_slice %arg4[%mul3A_4, %dma_wait3A_13] : memref<128x128xf32, #tpu.memory_space<hbm>> -> memref<8x128xf32, #tpu.memory_space<hbm>>
        %dma_wait3A_15 = arith.constant 0 : i32
        %dma_wait3A_16 = tpu.memref_slice %arg4[%mul3A_4, %dma_wait3A_15] : memref<128x128xf32, #tpu.memory_space<hbm>> -> memref<8x128xf32, #tpu.memory_space<hbm>>
        tpu.wait_dma2 semaphore(%run_scoped3A : memref<!tpu.dma_semaphore, #tpu.memory_space<semaphore_mem>>) src(%arg6 : memref<8x128xf32, #tpu.memory_space<vmem>>) dst(%dma_wait3A_16 : memref<8x128xf32, #tpu.memory_space<hbm>>)
        tpu.yield
      }) : () -> ()
    } else {
    }
    return
  }
}

module attributes {stable_mosaic.version = 14 : i64} {
  func.func @_fused_body(%arg0: i32, %arg1: i32, %arg2: memref<128x128xf32, #tpu.memory_space<vmem>>, %arg3: memref<128x1xi32, #tpu.memory_space<vmem>>, %arg4: memref<1x1xi32, #tpu.memory_space<vmem>>, %arg5: memref<48x32xf32, #tpu.memory_space<vmem>>, %arg6: memref<1000x64xf32, #tpu.memory_space<vmem>>, %arg7: memref<160x160xf32, #tpu.memory_space<vmem>>, %arg8: memref<1x160xf32, #tpu.memory_space<vmem>>, %arg9: memref<160x160xf32, #tpu.memory_space<vmem>>, %arg10: memref<1x160xf32, #tpu.memory_space<vmem>>, %arg11: memref<160x160xf32, #tpu.memory_space<vmem>>, %arg12: memref<1x160xf32, #tpu.memory_space<vmem>>, %arg13: memref<10240x224xf32, #tpu.memory_space<vmem>>, %arg14: memref<1x10240xf32, #tpu.memory_space<vmem>>, %arg15: memref<128x10240xf32, #tpu.memory_space<vmem>>, %arg16: memref<128x224xbf16, #tpu.memory_space<vmem>>, %arg17: memref<10x128x10240xbf16, #tpu.memory_space<vmem>>, %arg18: memref<128x1xf32, #tpu.memory_space<vmem>>, %arg19: memref<128x1xf32, #tpu.memory_space<vmem>>) attributes {dimension_semantics = [#tpu.dimension_semantics<arbitrary>, #tpu.dimension_semantics<arbitrary>], iteration_bounds = array<i64: 2, 10>, scalar_prefetch = 0 : i64, scratch_operands = 4 : i64, tpu.core_type = #tpu.core_type<tc>, window_params = [{pipeline_mode = #tpu.pipeline_mode<synchronous>, transform_indices = @transform_0, window_bounds = array<i64: 128, 128>}, {pipeline_mode = #tpu.pipeline_mode<synchronous>, transform_indices = @transform_1, window_bounds = array<i64: 128, 1>}, {pipeline_mode = #tpu.pipeline_mode<synchronous>, transform_indices = @transform_2, window_bounds = array<i64: 1, 1>}, {pipeline_mode = #tpu.pipeline_mode<synchronous>, transform_indices = @transform_3, window_bounds = array<i64: 48, 32>}, {pipeline_mode = #tpu.pipeline_mode<synchronous>, transform_indices = @transform_4, window_bounds = array<i64: 1000, 64>}, {pipeline_mode = #tpu.pipeline_mode<synchronous>, transform_indices = @transform_5, window_bounds = array<i64: 160, 160>}, {pipeline_mode = #tpu.pipeline_mode<synchronous>, transform_indices = @transform_6, window_bounds = array<i64: 1, 160>}, {pipeline_mode = #tpu.pipeline_mode<synchronous>, transform_indices = @transform_7, window_bounds = array<i64: 160, 160>}, {pipeline_mode = #tpu.pipeline_mode<synchronous>, transform_indices = @transform_8, window_bounds = array<i64: 1, 160>}, {pipeline_mode = #tpu.pipeline_mode<synchronous>, transform_indices = @transform_9, window_bounds = array<i64: 160, 160>}, {pipeline_mode = #tpu.pipeline_mode<synchronous>, transform_indices = @transform_10, window_bounds = array<i64: 1, 160>}, {transform_indices = @transform_11, window_bounds = array<i64: 10240, 224>}, {transform_indices = @transform_12, window_bounds = array<i64: 1, 10240>}, {transform_indices = @transform_13, window_bounds = array<i64: 128, 10240>}]} {
    %eq3A = arith.constant 0 : i32
    %eq3A_0 = arith.cmpi eq, %arg0, %eq3A : i32
    %eq3A_1 = arith.constant 0 : i32
    %eq3A_2 = arith.cmpi eq, %arg1, %eq3A_1 : i32
    %and3A = arith.andi %eq3A_0, %eq3A_2 : i1
    %convert_element_type3A = arith.extui %and3A : i1 to i32
    %cond3A = arith.constant 0 : i32
    %cond3A_3 = arith.cmpi ne, %convert_element_type3A, %cond3A : i32
    scf.if %cond3A_3 {
      %get3A = arith.constant 0 : index
      %get3A_14 = arith.constant 0 : index
      %get3A_15 = vector.load %arg2[%get3A, %get3A_14] : memref<128x128xf32, #tpu.memory_space<vmem>>, vector<128x128xf32>
      %get3A_16 = arith.constant 0 : index
      %get3A_17 = arith.constant 0 : index
      %get3A_18 = vector.load %arg3[%get3A_16, %get3A_17] : memref<128x1xi32, #tpu.memory_space<vmem>>, vector<128x1xi32>
      %iota3A = tpu.iota {dimensions = array<i32: 1>} : vector<128x48xi32>
      %eq3A_19 = vector.broadcast %get3A_18 : vector<128x1xi32> to vector<128x48xi32>
      %eq3A_20 = arith.cmpi eq, %iota3A, %eq3A_19 : vector<128x48xi32>
      %convert_element_type3A_21 = arith.extui %eq3A_20 : vector<128x48xi1> to vector<128x48xi32>
      %convert_element_type3A_22 = arith.sitofp %convert_element_type3A_21 : vector<128x48xi32> to vector<128x48xf32>
      %get3A_23 = arith.constant 0 : index
      %get3A_24 = arith.constant 0 : index
      %get3A_25 = vector.load %arg5[%get3A_23, %get3A_24] : memref<48x32xf32, #tpu.memory_space<vmem>>, vector<48x32xf32>
      %dot_general3A = arith.constant dense<0.000000e+00> : vector<128x32xf32>
      %dot_general3A_26 = tpu.matmul %convert_element_type3A_22, %get3A_25, %dot_general3A {dimension_numbers = #tpu.dot_dimension_numbers<[1], [0], [0], [1], [0, 0, 1, 1], [], []>, transpose_lhs_hint = false} : vector<128x48xf32>, vector<48x32xf32>, vector<128x32xf32> -> vector<128x32xf32>
      %concatenate3A = tpu.concatenate %get3A_15, %dot_general3A_26 in 1 : vector<128x128xf32>, vector<128x32xf32> -> vector<128x160xf32>
      %dot_general3A_27 = arith.constant dense<0.000000e+00> : vector<128x128xf32>
      %dot_general3A_28 = tpu.matmul %concatenate3A, %concatenate3A, %dot_general3A_27 {dimension_numbers = #tpu.dot_dimension_numbers<[1], [1], [0], [0], [0, 0, 1, 0], [], []>, transpose_lhs_hint = false} : vector<128x160xf32>, vector<128x160xf32>, vector<128x128xf32> -> vector<128x128xf32>
      %reduce_max3A = arith.constant dense<0xFF800000> : vector<128xf32>
      %reduce_max3A_29 = vector.multi_reduction <maximumf>, %dot_general3A_28, %reduce_max3A [1] : vector<128x128xf32> to vector<128xf32>
      %broadcast_in_dim3A = vector.shape_cast %reduce_max3A_29 : vector<128xf32> to vector<128x1xf32>
      %sub3A = vector.broadcast %broadcast_in_dim3A : vector<128x1xf32> to vector<128x128xf32>
      %sub3A_30 = arith.subf %dot_general3A_28, %sub3A : vector<128x128xf32>
      %exp3A = math.exp %sub3A_30 : vector<128x128xf32>
      %reduce_sum3A = arith.constant dense<0.000000e+00> : vector<128xf32>
      %reduce_sum3A_31 = vector.multi_reduction <add>, %exp3A, %reduce_sum3A [1] : vector<128x128xf32> to vector<128xf32>
      %broadcast_in_dim3A_32 = vector.shape_cast %reduce_sum3A_31 : vector<128xf32> to vector<128x1xf32>
      %div3A = vector.broadcast %broadcast_in_dim3A_32 : vector<128x1xf32> to vector<128x128xf32>
      %div3A_33 = arith.divf %exp3A, %div3A : vector<128x128xf32>
      %dot_general3A_34 = arith.constant dense<0.000000e+00> : vector<128x160xf32>
      %dot_general3A_35 = tpu.matmul %div3A_33, %concatenate3A, %dot_general3A_34 {dimension_numbers = #tpu.dot_dimension_numbers<[1], [0], [0], [1], [0, 0, 1, 1], [], []>, transpose_lhs_hint = false} : vector<128x128xf32>, vector<128x160xf32>, vector<128x160xf32> -> vector<128x160xf32>
      %get3A_36 = arith.constant 0 : index
      %get3A_37 = arith.constant 0 : index
      %get3A_38 = vector.load %arg7[%get3A_36, %get3A_37] : memref<160x160xf32, #tpu.memory_space<vmem>>, vector<160x160xf32>
      %dot_general3A_39 = arith.constant dense<0.000000e+00> : vector<128x160xf32>
      %dot_general3A_40 = tpu.matmul %dot_general3A_35, %get3A_38, %dot_general3A_39 {dimension_numbers = #tpu.dot_dimension_numbers<[1], [1], [0], [0], [0, 0, 1, 0], [], []>, transpose_lhs_hint = false} : vector<128x160xf32>, vector<160x160xf32>, vector<128x160xf32> -> vector<128x160xf32>
      %get3A_41 = arith.constant 0 : index
      %get3A_42 = arith.constant 0 : index
      %get3A_43 = vector.load %arg8[%get3A_41, %get3A_42] : memref<1x160xf32, #tpu.memory_space<vmem>>, vector<1x160xf32>
      %add3A = vector.broadcast %get3A_43 : vector<1x160xf32> to vector<128x160xf32>
      %add3A_44 = arith.addf %dot_general3A_40, %add3A : vector<128x160xf32>
      %logistic3A = arith.negf %add3A_44 : vector<128x160xf32>
      %logistic3A_45 = math.exp %logistic3A : vector<128x160xf32>
      %logistic3A_46 = arith.constant 1.000000e+00 : f32
      %logistic3A_47 = vector.broadcast %logistic3A_46 : f32 to vector<128x160xf32>
      %logistic3A_48 = arith.addf %logistic3A_47, %logistic3A_45 : vector<128x160xf32>
      %logistic3A_49 = arith.divf %logistic3A_47, %logistic3A_48 : vector<128x160xf32>
      %get3A_50 = arith.constant 0 : index
      %get3A_51 = arith.constant 0 : index
      %get3A_52 = vector.load %arg9[%get3A_50, %get3A_51] : memref<160x160xf32, #tpu.memory_space<vmem>>, vector<160x160xf32>
      %dot_general3A_53 = arith.constant dense<0.000000e+00> : vector<128x160xf32>
      %dot_general3A_54 = tpu.matmul %dot_general3A_35, %get3A_52, %dot_general3A_53 {dimension_numbers = #tpu.dot_dimension_numbers<[1], [1], [0], [0], [0, 0, 1, 0], [], []>, transpose_lhs_hint = false} : vector<128x160xf32>, vector<160x160xf32>, vector<128x160xf32> -> vector<128x160xf32>
      %get3A_55 = arith.constant 0 : index
      %get3A_56 = arith.constant 0 : index
      %get3A_57 = vector.load %arg10[%get3A_55, %get3A_56] : memref<1x160xf32, #tpu.memory_space<vmem>>, vector<1x160xf32>
      %add3A_58 = vector.broadcast %get3A_57 : vector<1x160xf32> to vector<128x160xf32>
      %add3A_59 = arith.addf %dot_general3A_54, %add3A_58 : vector<128x160xf32>
      %logistic3A_60 = arith.negf %add3A_59 : vector<128x160xf32>
      %logistic3A_61 = math.exp %logistic3A_60 : vector<128x160xf32>
      %logistic3A_62 = arith.constant 1.000000e+00 : f32
      %logistic3A_63 = vector.broadcast %logistic3A_62 : f32 to vector<128x160xf32>
      %logistic3A_64 = arith.addf %logistic3A_63, %logistic3A_61 : vector<128x160xf32>
      %logistic3A_65 = arith.divf %logistic3A_63, %logistic3A_64 : vector<128x160xf32>
      %mul3A = arith.mulf %logistic3A_49, %dot_general3A_35 : vector<128x160xf32>
      %get3A_66 = arith.constant 0 : index
      %get3A_67 = arith.constant 0 : index
      %get3A_68 = vector.load %arg11[%get3A_66, %get3A_67] : memref<160x160xf32, #tpu.memory_space<vmem>>, vector<160x160xf32>
      %dot_general3A_69 = arith.constant dense<0.000000e+00> : vector<128x160xf32>
      %dot_general3A_70 = tpu.matmul %mul3A, %get3A_68, %dot_general3A_69 {dimension_numbers = #tpu.dot_dimension_numbers<[1], [1], [0], [0], [0, 0, 1, 0], [], []>, transpose_lhs_hint = false} : vector<128x160xf32>, vector<160x160xf32>, vector<128x160xf32> -> vector<128x160xf32>
      %get3A_71 = arith.constant 0 : index
      %get3A_72 = arith.constant 0 : index
      %get3A_73 = vector.load %arg12[%get3A_71, %get3A_72] : memref<1x160xf32, #tpu.memory_space<vmem>>, vector<1x160xf32>
      %add3A_74 = vector.broadcast %get3A_73 : vector<1x160xf32> to vector<128x160xf32>
      %add3A_75 = arith.addf %dot_general3A_70, %add3A_74 : vector<128x160xf32>
      %tanh3A = math.tanh %add3A_75 : vector<128x160xf32>
      %sub3A_76 = arith.constant 1.000000e+00 : f32
      %sub3A_77 = vector.broadcast %sub3A_76 : f32 to vector<128x160xf32>
      %sub3A_78 = arith.subf %sub3A_77, %logistic3A_65 : vector<128x160xf32>
      %mul3A_79 = arith.constant 2.500000e-01 : f32
      %mul3A_80 = vector.broadcast %mul3A_79 : f32 to vector<128x160xf32>
      %mul3A_81 = arith.mulf %mul3A_80, %sub3A_78 : vector<128x160xf32>
      %sub3A_82 = arith.subf %tanh3A, %dot_general3A_35 : vector<128x160xf32>
      %mul3A_83 = arith.mulf %mul3A_81, %sub3A_82 : vector<128x160xf32>
      %add3A_84 = arith.addf %dot_general3A_35, %mul3A_83 : vector<128x160xf32>
      %get3A_85 = arith.constant 0 : index
      %get3A_86 = arith.constant 0 : index
      %get3A_87 = vector.load %arg7[%get3A_85, %get3A_86] : memref<160x160xf32, #tpu.memory_space<vmem>>, vector<160x160xf32>
      %dot_general3A_88 = arith.constant dense<0.000000e+00> : vector<128x160xf32>
      %dot_general3A_89 = tpu.matmul %add3A_84, %get3A_87, %dot_general3A_88 {dimension_numbers = #tpu.dot_dimension_numbers<[1], [1], [0], [0], [0, 0, 1, 0], [], []>, transpose_lhs_hint = false} : vector<128x160xf32>, vector<160x160xf32>, vector<128x160xf32> -> vector<128x160xf32>
      %get3A_90 = arith.constant 0 : index
      %get3A_91 = arith.constant 0 : index
      %get3A_92 = vector.load %arg8[%get3A_90, %get3A_91] : memref<1x160xf32, #tpu.memory_space<vmem>>, vector<1x160xf32>
      %add3A_93 = vector.broadcast %get3A_92 : vector<1x160xf32> to vector<128x160xf32>
      %add3A_94 = arith.addf %dot_general3A_89, %add3A_93 : vector<128x160xf32>
      %logistic3A_95 = arith.negf %add3A_94 : vector<128x160xf32>
      %logistic3A_96 = math.exp %logistic3A_95 : vector<128x160xf32>
      %logistic3A_97 = arith.constant 1.000000e+00 : f32
      %logistic3A_98 = vector.broadcast %logistic3A_97 : f32 to vector<128x160xf32>
      %logistic3A_99 = arith.addf %logistic3A_98, %logistic3A_96 : vector<128x160xf32>
      %logistic3A_100 = arith.divf %logistic3A_98, %logistic3A_99 : vector<128x160xf32>
      %get3A_101 = arith.constant 0 : index
      %get3A_102 = arith.constant 0 : index
      %get3A_103 = vector.load %arg9[%get3A_101, %get3A_102] : memref<160x160xf32, #tpu.memory_space<vmem>>, vector<160x160xf32>
      %dot_general3A_104 = arith.constant dense<0.000000e+00> : vector<128x160xf32>
      %dot_general3A_105 = tpu.matmul %add3A_84, %get3A_103, %dot_general3A_104 {dimension_numbers = #tpu.dot_dimension_numbers<[1], [1], [0], [0], [0, 0, 1, 0], [], []>, transpose_lhs_hint = false} : vector<128x160xf32>, vector<160x160xf32>, vector<128x160xf32> -> vector<128x160xf32>
      %get3A_106 = arith.constant 0 : index
      %get3A_107 = arith.constant 0 : index
      %get3A_108 = vector.load %arg10[%get3A_106, %get3A_107] : memref<1x160xf32, #tpu.memory_space<vmem>>, vector<1x160xf32>
      %add3A_109 = vector.broadcast %get3A_108 : vector<1x160xf32> to vector<128x160xf32>
      %add3A_110 = arith.addf %dot_general3A_105, %add3A_109 : vector<128x160xf32>
      %logistic3A_111 = arith.negf %add3A_110 : vector<128x160xf32>
      %logistic3A_112 = math.exp %logistic3A_111 : vector<128x160xf32>
      %logistic3A_113 = arith.constant 1.000000e+00 : f32
      %logistic3A_114 = vector.broadcast %logistic3A_113 : f32 to vector<128x160xf32>
      %logistic3A_115 = arith.addf %logistic3A_114, %logistic3A_112 : vector<128x160xf32>
      %logistic3A_116 = arith.divf %logistic3A_114, %logistic3A_115 : vector<128x160xf32>
      %mul3A_117 = arith.mulf %logistic3A_100, %add3A_84 : vector<128x160xf32>
      %get3A_118 = arith.constant 0 : index
      %get3A_119 = arith.constant 0 : index
      %get3A_120 = vector.load %arg11[%get3A_118, %get3A_119] : memref<160x160xf32, #tpu.memory_space<vmem>>, vector<160x160xf32>
      %dot_general3A_121 = arith.constant dense<0.000000e+00> : vector<128x160xf32>
      %dot_general3A_122 = tpu.matmul %mul3A_117, %get3A_120, %dot_general3A_121 {dimension_numbers = #tpu.dot_dimension_numbers<[1], [1], [0], [0], [0, 0, 1, 0], [], []>, transpose_lhs_hint = false} : vector<128x160xf32>, vector<160x160xf32>, vector<128x160xf32> -> vector<128x160xf32>
      %get3A_123 = arith.constant 0 : index
      %get3A_124 = arith.constant 0 : index
      %get3A_125 = vector.load %arg12[%get3A_123, %get3A_124] : memref<1x160xf32, #tpu.memory_space<vmem>>, vector<1x160xf32>
      %add3A_126 = vector.broadcast %get3A_125 : vector<1x160xf32> to vector<128x160xf32>
      %add3A_127 = arith.addf %dot_general3A_122, %add3A_126 : vector<128x160xf32>
      %tanh3A_128 = math.tanh %add3A_127 : vector<128x160xf32>
      %sub3A_129 = arith.constant 1.000000e+00 : f32
      %sub3A_130 = vector.broadcast %sub3A_129 : f32 to vector<128x160xf32>
      %sub3A_131 = arith.subf %sub3A_130, %logistic3A_116 : vector<128x160xf32>
      %mul3A_132 = arith.constant 2.500000e-01 : f32
      %mul3A_133 = vector.broadcast %mul3A_132 : f32 to vector<128x160xf32>
      %mul3A_134 = arith.mulf %mul3A_133, %sub3A_131 : vector<128x160xf32>
      %sub3A_135 = arith.subf %tanh3A_128, %add3A_84 : vector<128x160xf32>
      %mul3A_136 = arith.mulf %mul3A_134, %sub3A_135 : vector<128x160xf32>
      %add3A_137 = arith.addf %add3A_84, %mul3A_136 : vector<128x160xf32>
      %get3A_138 = arith.constant 0 : index
      %get3A_139 = arith.constant 0 : index
      %get3A_140 = vector.load %arg7[%get3A_138, %get3A_139] : memref<160x160xf32, #tpu.memory_space<vmem>>, vector<160x160xf32>
      %dot_general3A_141 = arith.constant dense<0.000000e+00> : vector<128x160xf32>
      %dot_general3A_142 = tpu.matmul %add3A_137, %get3A_140, %dot_general3A_141 {dimension_numbers = #tpu.dot_dimension_numbers<[1], [1], [0], [0], [0, 0, 1, 0], [], []>, transpose_lhs_hint = false} : vector<128x160xf32>, vector<160x160xf32>, vector<128x160xf32> -> vector<128x160xf32>
      %get3A_143 = arith.constant 0 : index
      %get3A_144 = arith.constant 0 : index
      %get3A_145 = vector.load %arg8[%get3A_143, %get3A_144] : memref<1x160xf32, #tpu.memory_space<vmem>>, vector<1x160xf32>
      %add3A_146 = vector.broadcast %get3A_145 : vector<1x160xf32> to vector<128x160xf32>
      %add3A_147 = arith.addf %dot_general3A_142, %add3A_146 : vector<128x160xf32>
      %logistic3A_148 = arith.negf %add3A_147 : vector<128x160xf32>
      %logistic3A_149 = math.exp %logistic3A_148 : vector<128x160xf32>
      %logistic3A_150 = arith.constant 1.000000e+00 : f32
      %logistic3A_151 = vector.broadcast %logistic3A_150 : f32 to vector<128x160xf32>
      %logistic3A_152 = arith.addf %logistic3A_151, %logistic3A_149 : vector<128x160xf32>
      %logistic3A_153 = arith.divf %logistic3A_151, %logistic3A_152 : vector<128x160xf32>
      %get3A_154 = arith.constant 0 : index
      %get3A_155 = arith.constant 0 : index
      %get3A_156 = vector.load %arg9[%get3A_154, %get3A_155] : memref<160x160xf32, #tpu.memory_space<vmem>>, vector<160x160xf32>
      %dot_general3A_157 = arith.constant dense<0.000000e+00> : vector<128x160xf32>
      %dot_general3A_158 = tpu.matmul %add3A_137, %get3A_156, %dot_general3A_157 {dimension_numbers = #tpu.dot_dimension_numbers<[1], [1], [0], [0], [0, 0, 1, 0], [], []>, transpose_lhs_hint = false} : vector<128x160xf32>, vector<160x160xf32>, vector<128x160xf32> -> vector<128x160xf32>
      %get3A_159 = arith.constant 0 : index
      %get3A_160 = arith.constant 0 : index
      %get3A_161 = vector.load %arg10[%get3A_159, %get3A_160] : memref<1x160xf32, #tpu.memory_space<vmem>>, vector<1x160xf32>
      %add3A_162 = vector.broadcast %get3A_161 : vector<1x160xf32> to vector<128x160xf32>
      %add3A_163 = arith.addf %dot_general3A_158, %add3A_162 : vector<128x160xf32>
      %logistic3A_164 = arith.negf %add3A_163 : vector<128x160xf32>
      %logistic3A_165 = math.exp %logistic3A_164 : vector<128x160xf32>
      %logistic3A_166 = arith.constant 1.000000e+00 : f32
      %logistic3A_167 = vector.broadcast %logistic3A_166 : f32 to vector<128x160xf32>
      %logistic3A_168 = arith.addf %logistic3A_167, %logistic3A_165 : vector<128x160xf32>
      %logistic3A_169 = arith.divf %logistic3A_167, %logistic3A_168 : vector<128x160xf32>
      %mul3A_170 = arith.mulf %logistic3A_153, %add3A_137 : vector<128x160xf32>
      %get3A_171 = arith.constant 0 : index
      %get3A_172 = arith.constant 0 : index
      %get3A_173 = vector.load %arg11[%get3A_171, %get3A_172] : memref<160x160xf32, #tpu.memory_space<vmem>>, vector<160x160xf32>
      %dot_general3A_174 = arith.constant dense<0.000000e+00> : vector<128x160xf32>
      %dot_general3A_175 = tpu.matmul %mul3A_170, %get3A_173, %dot_general3A_174 {dimension_numbers = #tpu.dot_dimension_numbers<[1], [1], [0], [0], [0, 0, 1, 0], [], []>, transpose_lhs_hint = false} : vector<128x160xf32>, vector<160x160xf32>, vector<128x160xf32> -> vector<128x160xf32>
      %get3A_176 = arith.constant 0 : index
      %get3A_177 = arith.constant 0 : index
      %get3A_178 = vector.load %arg12[%get3A_176, %get3A_177] : memref<1x160xf32, #tpu.memory_space<vmem>>, vector<1x160xf32>
      %add3A_179 = vector.broadcast %get3A_178 : vector<1x160xf32> to vector<128x160xf32>
      %add3A_180 = arith.addf %dot_general3A_175, %add3A_179 : vector<128x160xf32>
      %tanh3A_181 = math.tanh %add3A_180 : vector<128x160xf32>
      %sub3A_182 = arith.constant 1.000000e+00 : f32
      %sub3A_183 = vector.broadcast %sub3A_182 : f32 to vector<128x160xf32>
      %sub3A_184 = arith.subf %sub3A_183, %logistic3A_169 : vector<128x160xf32>
      %mul3A_185 = arith.constant 2.500000e-01 : f32
      %mul3A_186 = vector.broadcast %mul3A_185 : f32 to vector<128x160xf32>
      %mul3A_187 = arith.mulf %mul3A_186, %sub3A_184 : vector<128x160xf32>
      %sub3A_188 = arith.subf %tanh3A_181, %add3A_137 : vector<128x160xf32>
      %mul3A_189 = arith.mulf %mul3A_187, %sub3A_188 : vector<128x160xf32>
      %add3A_190 = arith.addf %add3A_137, %mul3A_189 : vector<128x160xf32>
      %get3A_191 = arith.constant 0 : index
      %get3A_192 = arith.constant 0 : index
      %get3A_193 = vector.load %arg7[%get3A_191, %get3A_192] : memref<160x160xf32, #tpu.memory_space<vmem>>, vector<160x160xf32>
      %dot_general3A_194 = arith.constant dense<0.000000e+00> : vector<128x160xf32>
      %dot_general3A_195 = tpu.matmul %add3A_190, %get3A_193, %dot_general3A_194 {dimension_numbers = #tpu.dot_dimension_numbers<[1], [1], [0], [0], [0, 0, 1, 0], [], []>, transpose_lhs_hint = false} : vector<128x160xf32>, vector<160x160xf32>, vector<128x160xf32> -> vector<128x160xf32>
      %get3A_196 = arith.constant 0 : index
      %get3A_197 = arith.constant 0 : index
      %get3A_198 = vector.load %arg8[%get3A_196, %get3A_197] : memref<1x160xf32, #tpu.memory_space<vmem>>, vector<1x160xf32>
      %add3A_199 = vector.broadcast %get3A_198 : vector<1x160xf32> to vector<128x160xf32>
      %add3A_200 = arith.addf %dot_general3A_195, %add3A_199 : vector<128x160xf32>
      %logistic3A_201 = arith.negf %add3A_200 : vector<128x160xf32>
      %logistic3A_202 = math.exp %logistic3A_201 : vector<128x160xf32>
      %logistic3A_203 = arith.constant 1.000000e+00 : f32
      %logistic3A_204 = vector.broadcast %logistic3A_203 : f32 to vector<128x160xf32>
      %logistic3A_205 = arith.addf %logistic3A_204, %logistic3A_202 : vector<128x160xf32>
      %logistic3A_206 = arith.divf %logistic3A_204, %logistic3A_205 : vector<128x160xf32>
      %get3A_207 = arith.constant 0 : index
      %get3A_208 = arith.constant 0 : index
      %get3A_209 = vector.load %arg9[%get3A_207, %get3A_208] : memref<160x160xf32, #tpu.memory_space<vmem>>, vector<160x160xf32>
      %dot_general3A_210 = arith.constant dense<0.000000e+00> : vector<128x160xf32>
      %dot_general3A_211 = tpu.matmul %add3A_190, %get3A_209, %dot_general3A_210 {dimension_numbers = #tpu.dot_dimension_numbers<[1], [1], [0], [0], [0, 0, 1, 0], [], []>, transpose_lhs_hint = false} : vector<128x160xf32>, vector<160x160xf32>, vector<128x160xf32> -> vector<128x160xf32>
      %get3A_212 = arith.constant 0 : index
      %get3A_213 = arith.constant 0 : index
      %get3A_214 = vector.load %arg10[%get3A_212, %get3A_213] : memref<1x160xf32, #tpu.memory_space<vmem>>, vector<1x160xf32>
      %add3A_215 = vector.broadcast %get3A_214 : vector<1x160xf32> to vector<128x160xf32>
      %add3A_216 = arith.addf %dot_general3A_211, %add3A_215 : vector<128x160xf32>
      %logistic3A_217 = arith.negf %add3A_216 : vector<128x160xf32>
      %logistic3A_218 = math.exp %logistic3A_217 : vector<128x160xf32>
      %logistic3A_219 = arith.constant 1.000000e+00 : f32
      %logistic3A_220 = vector.broadcast %logistic3A_219 : f32 to vector<128x160xf32>
      %logistic3A_221 = arith.addf %logistic3A_220, %logistic3A_218 : vector<128x160xf32>
      %logistic3A_222 = arith.divf %logistic3A_220, %logistic3A_221 : vector<128x160xf32>
      %mul3A_223 = arith.mulf %logistic3A_206, %add3A_190 : vector<128x160xf32>
      %get3A_224 = arith.constant 0 : index
      %get3A_225 = arith.constant 0 : index
      %get3A_226 = vector.load %arg11[%get3A_224, %get3A_225] : memref<160x160xf32, #tpu.memory_space<vmem>>, vector<160x160xf32>
      %dot_general3A_227 = arith.constant dense<0.000000e+00> : vector<128x160xf32>
      %dot_general3A_228 = tpu.matmul %mul3A_223, %get3A_226, %dot_general3A_227 {dimension_numbers = #tpu.dot_dimension_numbers<[1], [1], [0], [0], [0, 0, 1, 0], [], []>, transpose_lhs_hint = false} : vector<128x160xf32>, vector<160x160xf32>, vector<128x160xf32> -> vector<128x160xf32>
      %get3A_229 = arith.constant 0 : index
      %get3A_230 = arith.constant 0 : index
      %get3A_231 = vector.load %arg12[%get3A_229, %get3A_230] : memref<1x160xf32, #tpu.memory_space<vmem>>, vector<1x160xf32>
      %add3A_232 = vector.broadcast %get3A_231 : vector<1x160xf32> to vector<128x160xf32>
      %add3A_233 = arith.addf %dot_general3A_228, %add3A_232 : vector<128x160xf32>
      %tanh3A_234 = math.tanh %add3A_233 : vector<128x160xf32>
      %sub3A_235 = arith.constant 1.000000e+00 : f32
      %sub3A_236 = vector.broadcast %sub3A_235 : f32 to vector<128x160xf32>
      %sub3A_237 = arith.subf %sub3A_236, %logistic3A_222 : vector<128x160xf32>
      %mul3A_238 = arith.constant 2.500000e-01 : f32
      %mul3A_239 = vector.broadcast %mul3A_238 : f32 to vector<128x160xf32>
      %mul3A_240 = arith.mulf %mul3A_239, %sub3A_237 : vector<128x160xf32>
      %sub3A_241 = arith.subf %tanh3A_234, %add3A_190 : vector<128x160xf32>
      %mul3A_242 = arith.mulf %mul3A_240, %sub3A_241 : vector<128x160xf32>
      %add3A_243 = arith.addf %add3A_190, %mul3A_242 : vector<128x160xf32>
      %iota3A_244 = tpu.iota {dimensions = array<i32: 1>} : vector<128x1000xi32>
      %get3A_245 = arith.constant 0 : index
      %get3A_246 = arith.constant 0 : index
      %get3A_247 = vector.load %arg4[%get3A_245, %get3A_246] : memref<1x1xi32, #tpu.memory_space<vmem>>, vector<1x1xi32>
      %eq3A_248 = vector.broadcast %get3A_247 : vector<1x1xi32> to vector<128x1000xi32>
      %eq3A_249 = arith.cmpi eq, %iota3A_244, %eq3A_248 : vector<128x1000xi32>
      %convert_element_type3A_250 = arith.extui %eq3A_249 : vector<128x1000xi1> to vector<128x1000xi32>
      %convert_element_type3A_251 = arith.sitofp %convert_element_type3A_250 : vector<128x1000xi32> to vector<128x1000xf32>
      %get3A_252 = arith.constant 0 : index
      %get3A_253 = arith.constant 0 : index
      %get3A_254 = vector.load %arg6[%get3A_252, %get3A_253] : memref<1000x64xf32, #tpu.memory_space<vmem>>, vector<1000x64xf32>
      %dot_general3A_255 = arith.constant dense<0.000000e+00> : vector<128x64xf32>
      %dot_general3A_256 = tpu.matmul %convert_element_type3A_251, %get3A_254, %dot_general3A_255 {dimension_numbers = #tpu.dot_dimension_numbers<[1], [0], [0], [1], [0, 0, 1, 1], [], []>, transpose_lhs_hint = false} : vector<128x1000xf32>, vector<1000x64xf32>, vector<128x64xf32> -> vector<128x64xf32>
      %concatenate3A_257 = tpu.concatenate %add3A_243, %dot_general3A_256 in 1 : vector<128x160xf32>, vector<128x64xf32> -> vector<128x224xf32>
      %convert_element_type3A_258 = arith.truncf %concatenate3A_257 : vector<128x224xf32> to vector<128x224xbf16>
      %swap3A = arith.constant 0 : index
      %swap3A_259 = arith.constant 0 : index
      %swap3A_260 = vector.load %arg16[%swap3A, %swap3A_259] : memref<128x224xbf16, #tpu.memory_space<vmem>>, vector<128x224xbf16>
      tpu.vector_store %arg16[%swap3A, %swap3A_259], %convert_element_type3A_258 {strides = array<i32>} : memref<128x224xbf16, #tpu.memory_space<vmem>>, vector<128x224xbf16>,
      %broadcast_in_dim3A_261 = arith.constant 0xFF800000 : f32
      %broadcast_in_dim3A_262 = vector.broadcast %broadcast_in_dim3A_261 : f32 to vector<128x1xf32>
      %swap3A_263 = arith.constant 0 : index
      %swap3A_264 = arith.constant 0 : index
      %swap3A_265 = vector.load %arg18[%swap3A_263, %swap3A_264] : memref<128x1xf32, #tpu.memory_space<vmem>>, vector<128x1xf32>
      tpu.vector_store %arg18[%swap3A_263, %swap3A_264], %broadcast_in_dim3A_262 {strides = array<i32>} : memref<128x1xf32, #tpu.memory_space<vmem>>, vector<128x1xf32>,
      %broadcast_in_dim3A_266 = arith.constant 0.000000e+00 : f32
      %broadcast_in_dim3A_267 = vector.broadcast %broadcast_in_dim3A_266 : f32 to vector<128x1xf32>
      %swap3A_268 = arith.constant 0 : index
      %swap3A_269 = arith.constant 0 : index
      %swap3A_270 = vector.load %arg19[%swap3A_268, %swap3A_269] : memref<128x1xf32, #tpu.memory_space<vmem>>, vector<128x1xf32>
      tpu.vector_store %arg19[%swap3A_268, %swap3A_269], %broadcast_in_dim3A_267 {strides = array<i32>} : memref<128x1xf32, #tpu.memory_space<vmem>>, vector<128x1xf32>,
    } else {
    }
    %eq3A_4 = arith.constant 0 : i32
    %eq3A_5 = arith.cmpi eq, %arg0, %eq3A_4 : i32
    %convert_element_type3A_6 = arith.extui %eq3A_5 : i1 to i32
    %cond3A_7 = arith.constant 0 : i32
    %cond3A_8 = arith.cmpi ne, %convert_element_type3A_6, %cond3A_7 : i32
    scf.if %cond3A_8 {
      %get3A = arith.constant 0 : index
      %get3A_14 = arith.constant 0 : index
      %get3A_15 = vector.load %arg16[%get3A, %get3A_14] : memref<128x224xbf16, #tpu.memory_space<vmem>>, vector<128x224xbf16>
      %get3A_16 = arith.constant 0 : index
      %get3A_17 = arith.constant 0 : index
      %get3A_18 = vector.load %arg13[%get3A_16, %get3A_17] : memref<10240x224xf32, #tpu.memory_space<vmem>>, vector<10240x224xf32>
      %convert_element_type3A_19 = arith.truncf %get3A_18 : vector<10240x224xf32> to vector<10240x224xbf16>
      %dot_general3A = arith.constant dense<0.000000e+00> : vector<128x10240xf32>
      %dot_general3A_20 = tpu.matmul %get3A_15, %convert_element_type3A_19, %dot_general3A {dimension_numbers = #tpu.dot_dimension_numbers<[1], [1], [0], [0], [0, 0, 1, 0], [], []>, transpose_lhs_hint = false} : vector<128x224xbf16>, vector<10240x224xbf16>, vector<128x10240xf32> -> vector<128x10240xf32>
      %get3A_21 = arith.constant 0 : index
      %get3A_22 = arith.constant 0 : index
      %get3A_23 = vector.load %arg14[%get3A_21, %get3A_22] : memref<1x10240xf32, #tpu.memory_space<vmem>>, vector<1x10240xf32>
      %add3A = vector.broadcast %get3A_23 : vector<1x10240xf32> to vector<128x10240xf32>
      %add3A_24 = arith.addf %dot_general3A_20, %add3A : vector<128x10240xf32>
      %convert_element_type3A_25 = arith.truncf %add3A_24 : vector<128x10240xf32> to vector<128x10240xbf16>
      %swap3A = arith.index_cast %arg1 : i32 to index
      %swap3A_26 = arith.constant 0 : index
      %swap3A_27 = arith.constant 0 : index
      %swap3A_28 = vector.load %arg17[%swap3A, %swap3A_26, %swap3A_27] : memref<10x128x10240xbf16, #tpu.memory_space<vmem>>, vector<1x128x10240xbf16>
      %swap3A_29 = vector.shape_cast %swap3A_28 : vector<1x128x10240xbf16> to vector<128x10240xbf16>
      %swap3A_30 = vector.shape_cast %convert_element_type3A_25 : vector<128x10240xbf16> to vector<1x128x10240xbf16>
      tpu.vector_store %arg17[%swap3A, %swap3A_26, %swap3A_27], %swap3A_30 {strides = array<i32>} : memref<10x128x10240xbf16, #tpu.memory_space<vmem>>, vector<1x128x10240xbf16>,
      %lt3A = arith.constant 9 : i32
      %lt3A_31 = arith.cmpi slt, %arg1, %lt3A : i32
      %convert_element_type3A_32 = arith.extui %lt3A_31 : i1 to i32
      %cond3A_33 = arith.constant 0 : i32
      %cond3A_34 = arith.cmpi ne, %convert_element_type3A_32, %cond3A_33 : i32
      scf.if %cond3A_34 {
        %get3A_40 = arith.constant 0 : index
        %get3A_41 = arith.constant 0 : index
        %get3A_42 = vector.load %arg18[%get3A_40, %get3A_41] : memref<128x1xf32, #tpu.memory_space<vmem>>, vector<128x1xf32>
        %reduce_max3A = arith.constant dense<0xFF800000> : vector<128xf32>
        %reduce_max3A_43 = vector.multi_reduction <maximumf>, %add3A_24, %reduce_max3A [1] : vector<128x10240xf32> to vector<128xf32>
        %broadcast_in_dim3A = vector.shape_cast %reduce_max3A_43 : vector<128xf32> to vector<128x1xf32>
        %max3A = arith.maximumf %get3A_42, %broadcast_in_dim3A : vector<128x1xf32>
        %get3A_44 = arith.constant 0 : index
        %get3A_45 = arith.constant 0 : index
        %get3A_46 = vector.load %arg19[%get3A_44, %get3A_45] : memref<128x1xf32, #tpu.memory_space<vmem>>, vector<128x1xf32>
        %sub3A = arith.subf %get3A_42, %max3A : vector<128x1xf32>
        %exp3A = math.exp %sub3A : vector<128x1xf32>
        %mul3A = arith.mulf %get3A_46, %exp3A : vector<128x1xf32>
        %sub3A_47 = vector.broadcast %max3A : vector<128x1xf32> to vector<128x10240xf32>
        %sub3A_48 = arith.subf %add3A_24, %sub3A_47 : vector<128x10240xf32>
        %exp3A_49 = math.exp %sub3A_48 : vector<128x10240xf32>
        %reduce_sum3A = arith.constant dense<0.000000e+00> : vector<128xf32>
        %reduce_sum3A_50 = vector.multi_reduction <add>, %exp3A_49, %reduce_sum3A [1] : vector<128x10240xf32> to vector<128xf32>
        %broadcast_in_dim3A_51 = vector.shape_cast %reduce_sum3A_50 : vector<128xf32> to vector<128x1xf32>
        %add3A_52 = arith.addf %mul3A, %broadcast_in_dim3A_51 : vector<128x1xf32>
        %swap3A_53 = arith.constant 0 : index
        %swap3A_54 = arith.constant 0 : index
        %swap3A_55 = vector.load %arg19[%swap3A_53, %swap3A_54] : memref<128x1xf32, #tpu.memory_space<vmem>>, vector<128x1xf32>
        tpu.vector_store %arg19[%swap3A_53, %swap3A_54], %add3A_52 {strides = array<i32>} : memref<128x1xf32, #tpu.memory_space<vmem>>, vector<128x1xf32>,
        %swap3A_56 = arith.constant 0 : index
        %swap3A_57 = arith.constant 0 : index
        %swap3A_58 = vector.load %arg18[%swap3A_56, %swap3A_57] : memref<128x1xf32, #tpu.memory_space<vmem>>, vector<128x1xf32>
        tpu.vector_store %arg18[%swap3A_56, %swap3A_57], %max3A {strides = array<i32>} : memref<128x1xf32, #tpu.memory_space<vmem>>, vector<128x1xf32>,
      } else {
      }
      %eq3A_35 = arith.constant 9 : i32
      %eq3A_36 = arith.cmpi eq, %arg1, %eq3A_35 : i32
      %convert_element_type3A_37 = arith.extui %eq3A_36 : i1 to i32
      %cond3A_38 = arith.constant 0 : i32
      %cond3A_39 = arith.cmpi ne, %convert_element_type3A_37, %cond3A_38 : i32
      scf.if %cond3A_39 {
        %iota3A = tpu.iota {dimensions = array<i32: 1>} : vector<128x10240xi32>
        %lt3A_40 = arith.constant 7840 : i32
        %lt3A_41 = vector.broadcast %lt3A_40 : i32 to vector<128x10240xi32>
        %lt3A_42 = arith.cmpi slt, %iota3A, %lt3A_41 : vector<128x10240xi32>
        %jit3A = arith.constant 0xFF800000 : f32
        %broadcast_in_dim3A = vector.broadcast %jit3A : f32 to vector<128x10240xf32>
        %select_n3A = arith.select %lt3A_42, %add3A_24, %broadcast_in_dim3A : vector<128x10240xi1>, vector<128x10240xf32>
        %get3A_43 = arith.constant 0 : index
        %get3A_44 = arith.constant 0 : index
        %get3A_45 = vector.load %arg18[%get3A_43, %get3A_44] : memref<128x1xf32, #tpu.memory_space<vmem>>, vector<128x1xf32>
        %reduce_max3A = arith.constant dense<0xFF800000> : vector<128xf32>
        %reduce_max3A_46 = vector.multi_reduction <maximumf>, %select_n3A, %reduce_max3A [1] : vector<128x10240xf32> to vector<128xf32>
        %broadcast_in_dim3A_47 = vector.shape_cast %reduce_max3A_46 : vector<128xf32> to vector<128x1xf32>
        %max3A = arith.maximumf %get3A_45, %broadcast_in_dim3A_47 : vector<128x1xf32>
        %get3A_48 = arith.constant 0 : index
        %get3A_49 = arith.constant 0 : index
        %get3A_50 = vector.load %arg19[%get3A_48, %get3A_49] : memref<128x1xf32, #tpu.memory_space<vmem>>, vector<128x1xf32>
        %sub3A = arith.subf %get3A_45, %max3A : vector<128x1xf32>
        %exp3A = math.exp %sub3A : vector<128x1xf32>
        %mul3A = arith.mulf %get3A_50, %exp3A : vector<128x1xf32>
        %sub3A_51 = vector.broadcast %max3A : vector<128x1xf32> to vector<128x10240xf32>
        %sub3A_52 = arith.subf %select_n3A, %sub3A_51 : vector<128x10240xf32>
        %exp3A_53 = math.exp %sub3A_52 : vector<128x10240xf32>
        %reduce_sum3A = arith.constant dense<0.000000e+00> : vector<128xf32>
        %reduce_sum3A_54 = vector.multi_reduction <add>, %exp3A_53, %reduce_sum3A [1] : vector<128x10240xf32> to vector<128xf32>
        %broadcast_in_dim3A_55 = vector.shape_cast %reduce_sum3A_54 : vector<128xf32> to vector<128x1xf32>
        %add3A_56 = arith.addf %mul3A, %broadcast_in_dim3A_55 : vector<128x1xf32>
        %swap3A_57 = arith.constant 0 : index
        %swap3A_58 = arith.constant 0 : index
        %swap3A_59 = vector.load %arg19[%swap3A_57, %swap3A_58] : memref<128x1xf32, #tpu.memory_space<vmem>>, vector<128x1xf32>
        tpu.vector_store %arg19[%swap3A_57, %swap3A_58], %add3A_56 {strides = array<i32>} : memref<128x1xf32, #tpu.memory_space<vmem>>, vector<128x1xf32>,
        %swap3A_60 = arith.constant 0 : index
        %swap3A_61 = arith.constant 0 : index
        %swap3A_62 = vector.load %arg18[%swap3A_60, %swap3A_61] : memref<128x1xf32, #tpu.memory_space<vmem>>, vector<128x1xf32>
        tpu.vector_store %arg18[%swap3A_60, %swap3A_61], %max3A {strides = array<i32>} : memref<128x1xf32, #tpu.memory_space<vmem>>, vector<128x1xf32>,
      } else {
      }
    } else {
    }
    %eq3A_9 = arith.constant 1 : i32
    %eq3A_10 = arith.cmpi eq, %arg0, %eq3A_9 : i32
    %convert_element_type3A_11 = arith.extui %eq3A_10 : i1 to i32
    %cond3A_12 = arith.constant 0 : i32
    %cond3A_13 = arith.cmpi ne, %convert_element_type3A_11, %cond3A_12 : i32
    scf.if %cond3A_13 {
      %get3A = arith.constant 0 : index
      %get3A_14 = arith.constant 0 : index
      %get3A_15 = vector.load %arg18[%get3A, %get3A_14] : memref<128x1xf32, #tpu.memory_space<vmem>>, vector<128x1xf32>
      %get3A_16 = arith.constant 0 : index
      %get3A_17 = arith.constant 0 : index
      %get3A_18 = vector.load %arg19[%get3A_16, %get3A_17] : memref<128x1xf32, #tpu.memory_space<vmem>>, vector<128x1xf32>
      %log3A = math.log %get3A_18 : vector<128x1xf32>
      %add3A = arith.addf %get3A_15, %log3A : vector<128x1xf32>
      %get3A_19 = arith.index_cast %arg1 : i32 to index
      %get3A_20 = arith.constant 0 : index
      %get3A_21 = arith.constant 0 : index
      %get3A_22 = vector.load %arg17[%get3A_19, %get3A_20, %get3A_21] : memref<10x128x10240xbf16, #tpu.memory_space<vmem>>, vector<1x128x10240xbf16>
      %get3A_23 = vector.shape_cast %get3A_22 : vector<1x128x10240xbf16> to vector<128x10240xbf16>
      %convert_element_type3A_24 = arith.extf %get3A_23 : vector<128x10240xbf16> to vector<128x10240xf32>
      %sub3A = vector.broadcast %add3A : vector<128x1xf32> to vector<128x10240xf32>
      %sub3A_25 = arith.subf %convert_element_type3A_24, %sub3A : vector<128x10240xf32>
      %swap3A = arith.constant 0 : index
      %swap3A_26 = arith.constant 0 : index
      %swap3A_27 = vector.load %arg15[%swap3A, %swap3A_26] : memref<128x10240xf32, #tpu.memory_space<vmem>>, vector<128x10240xf32>
      tpu.vector_store %arg15[%swap3A, %swap3A_26], %sub3A_25 {strides = array<i32>} : memref<128x10240xf32, #tpu.memory_space<vmem>>, vector<128x10240xf32>,
    } else {
    }
    return
  }
  func.func @transform_0(%arg0: i32, %arg1: i32) -> (i32, i32) {
    %c0_i32 = arith.constant 0 : i32
    %c0_i32_0 = arith.constant 0 : i32
    %c0_i32_1 = arith.constant 0 : i32
    return %c0_i32, %c0_i32_0 : i32, i32
  }
  func.func @transform_1(%arg0: i32, %arg1: i32) -> (i32, i32) {
    %c0_i32 = arith.constant 0 : i32
    %c0_i32_0 = arith.constant 0 : i32
    %c0_i32_1 = arith.constant 0 : i32
    return %c0_i32, %c0_i32_0 : i32, i32
  }
  func.func @transform_2(%arg0: i32, %arg1: i32) -> (i32, i32) {
    %c0_i32 = arith.constant 0 : i32
    %c0_i32_0 = arith.constant 0 : i32
    %c0_i32_1 = arith.constant 0 : i32
    return %c0_i32, %c0_i32_0 : i32, i32
  }
  func.func @transform_3(%arg0: i32, %arg1: i32) -> (i32, i32) {
    %c0_i32 = arith.constant 0 : i32
    %c0_i32_0 = arith.constant 0 : i32
    %c0_i32_1 = arith.constant 0 : i32
    return %c0_i32, %c0_i32_0 : i32, i32
  }
  func.func @transform_4(%arg0: i32, %arg1: i32) -> (i32, i32) {
    %c0_i32 = arith.constant 0 : i32
    %c0_i32_0 = arith.constant 0 : i32
    %c0_i32_1 = arith.constant 0 : i32
    return %c0_i32, %c0_i32_0 : i32, i32
  }
  func.func @transform_5(%arg0: i32, %arg1: i32) -> (i32, i32) {
    %c0_i32 = arith.constant 0 : i32
    %c0_i32_0 = arith.constant 0 : i32
    %c0_i32_1 = arith.constant 0 : i32
    return %c0_i32, %c0_i32_0 : i32, i32
  }
  func.func @transform_6(%arg0: i32, %arg1: i32) -> (i32, i32) {
    %c0_i32 = arith.constant 0 : i32
    %c0_i32_0 = arith.constant 0 : i32
    %c0_i32_1 = arith.constant 0 : i32
    return %c0_i32, %c0_i32_0 : i32, i32
  }
  func.func @transform_7(%arg0: i32, %arg1: i32) -> (i32, i32) {
    %c0_i32 = arith.constant 0 : i32
    %c0_i32_0 = arith.constant 0 : i32
    %c0_i32_1 = arith.constant 0 : i32
    return %c0_i32, %c0_i32_0 : i32, i32
  }
  func.func @transform_8(%arg0: i32, %arg1: i32) -> (i32, i32) {
    %c0_i32 = arith.constant 0 : i32
    %c0_i32_0 = arith.constant 0 : i32
    %c0_i32_1 = arith.constant 0 : i32
    return %c0_i32, %c0_i32_0 : i32, i32
  }
  func.func @transform_9(%arg0: i32, %arg1: i32) -> (i32, i32) {
    %c0_i32 = arith.constant 0 : i32
    %c0_i32_0 = arith.constant 0 : i32
    %c0_i32_1 = arith.constant 0 : i32
    return %c0_i32, %c0_i32_0 : i32, i32
  }
  func.func @transform_10(%arg0: i32, %arg1: i32) -> (i32, i32) {
    %c0_i32 = arith.constant 0 : i32
    %c0_i32_0 = arith.constant 0 : i32
    %c0_i32_1 = arith.constant 0 : i32
    return %c0_i32, %c0_i32_0 : i32, i32
  }
  func.func @transform_11(%arg0: i32, %arg1: i32) -> (i32, i32) {
    %sub3A = arith.constant 1 : i32
    %sub3A_0 = arith.subi %sub3A, %arg0 : i32
    %mul3A = arith.muli %arg1, %sub3A_0 : i32
    %mul3A_1 = arith.constant 9 : i32
    %mul3A_2 = arith.muli %arg0, %mul3A_1 : i32
    %add3A = arith.addi %mul3A, %mul3A_2 : i32
    %c0_i32 = arith.constant 0 : i32
    %c0_i32_3 = arith.constant 0 : i32
    return %add3A, %c0_i32 : i32, i32
  }
  func.func @transform_12(%arg0: i32, %arg1: i32) -> (i32, i32) {
    %sub3A = arith.constant 1 : i32
    %sub3A_0 = arith.subi %sub3A, %arg0 : i32
    %mul3A = arith.muli %arg1, %sub3A_0 : i32
    %mul3A_1 = arith.constant 9 : i32
    %mul3A_2 = arith.muli %arg0, %mul3A_1 : i32
    %add3A = arith.addi %mul3A, %mul3A_2 : i32
    %c0_i32 = arith.constant 0 : i32
    %c0_i32_3 = arith.constant 0 : i32
    return %c0_i32, %add3A : i32, i32
  }
  func.func @transform_13(%arg0: i32, %arg1: i32) -> (i32, i32) {
    %mul3A = arith.muli %arg1, %arg0 : i32
    %c0_i32 = arith.constant 0 : i32
    %c0_i32_0 = arith.constant 0 : i32
    return %c0_i32, %mul3A : i32, i32
  }
}

</mosaic_0001>

<sc_bundles>
// kernel: kernel.4.cloned.1.call-start
scs
__scs_entry_jumppad:
0x0: {  	(pc) =	sbr.rel $0x88, $3  }
0x1: {  	(tag) =	ssettag $0x0;
	lr =	simm.s32 $0x1  }
0x2: {  	[smem:$0x3F93] =	sst lr;
	_ =	strace $0xD0000000  }
0x3: {  	_ = 	snop  }
0x4: {  	_ = 	snop  }
0x5: {  	_ = 	snop  }
0x6: {  	_ = 	snop  }
0x7: {  	_ = 	snop  }
__scs_overlays_trampoline_lowered:
0x8: {  	[smem:$0x3FA2] =	sst s0  }
0x9: {  	[smem:$0x3FA3] =	sst s1  }
0xa: {  	[smem:$0x3FA4] =	sst s2  }
0xb: {  	[smem:$0x3FA5] =	sst s3  }
0xc: {  	[smem:$0x3FA6] =	sst s4  }
0xd: {  	[smem:$0x3FA7] =	sst s5  }
0xe: {  	[smem:$0x3FA8] =	sst s6  }
0xf: {  	[smem:$0x3FA9] =	sst s7  }
0x10: {  	[smem:$0x3FAA] =	sst s8  }
0x11: {  	[smem:$0x3FAB] =	sst s9;
	s0 =	simm.s32 @!p0 $0x0  }
0x12: {  	s1 =	sld [smem:$0x3F91];
	s0 =	simm.s32 @p0 $0x1  }
0x13: {  	[smem:$0x3FAC] =	sst s0;
	s0 =	simm.s32 @!p1 $0x0  }
0x14: {  	s2 =	sld [smem:$0x3F90];
	s0 =	simm.s32 @p1 $0x1  }
0x15: {  	[smem:$0x3FAD] =	sst s0;
	s0 =	simm.s32 @!p2 $0x0  }
0x16: {  	s3 =	sld [smem:$0x3FDB];
	s0 =	simm.s32 @p2 $0x1  }
0x17: {  	s4 =	simm.s32 $0x1BF5;
	[smem:$0x3FAF] =	sst s0  }
0x18: {  	s0 =	sld [smem:$0x3F92];
	_ =	swait.ge [sflag:s4], $0x0  }
0x19: {  	s7 =	sld [smem:$0x3F93]  }
0x1a: {  	s8 =	sadd.s32 $0xFFFFE003, lr  }
0x1b: {  	s9 =	sadd.s32 $0xFFFFFEF7, lr;
	s5 =	simm.s32 $0xFFFFFFFF;
	p2 =	slt.u32 s8, $0xFFFFF086  }
0x1c: {  	p1 =	slt.u32 s9, $0xF7A;
	s5 =	simm.s32 @!p2 $0x0  }
0x1d: {  	s5 =	simm.s32 @p1 $0x1;
	p0 =	seq.s32 s7, s2  }
0x1e: {  	s7 =	smul.u32 @!p0 $0xF7A, s2;
	p2 =	seq.s32 @!p0 s5, $0x0  }
0x1f: {  	s9 =	smul.u32 $0xF7A, s1;
	s8 =	simm.s32 @!p0 $0x1BF5;
	p2 =	por !p2, p0  }
0x20: {  	[sflag:s8] =	ssyncset.s32 @!p0 $0xFFFFF086;
	s6 =	sadd.s32 @!p0 s3, s7;
	s7 =	simm.s32 @!p0 $0x108  }
0x21: {  	s3 =	sadd.s32 s3, s9;
	s6 =	sadd.s32 @!p0 $0x88, s6;
	s7 =	simm.s32 @p2 $0x1082  }
0x22: {  	[simem:s7], [sflag:s8] =	dma.local @!p0 [hbm:s6], $0xF7A  }
0x23: {  	s9 =	sor.u32 $0xD0000000, s2;
	s6 =	simm.s32 $0x108;
	_ =	swait.ge @!p0 [sflag:s8], $0x0  }
0x24: {  	s3 =	sadd.s32 $0x88, s3;
	s6 =	simm.s32 @!p1 $0x1082;
	[sflag:s4] =	ssyncset.s32 $0xFFFFF086  }
0x25: {  	[simem:s6], [sflag:s4] =	dma.local [hbm:s3], $0xF7A  }
0x26: {  	[smem:$0x3F93] =	sst s1;
	(tag) =	ssettag s2;
	_ =	strace s9  }
0x27: {  	s1 =	sld [smem:$0x3FA3]  }
0x28: {  	s2 =	sld [smem:$0x3FA4]  }
0x29: {  	s4 =	sld [smem:$0x3FA6]  }
0x2a: {  	p0 =	seq.s32 s5, $0x0;
	s5 =	sld [smem:$0x3FA7]  }
0x2b: {  	s6 =	sld [smem:$0x3FA8]  }
0x2c: {  	s7 =	sld [smem:$0x3FA9]  }
0x2d: {  	s3 =	simm.s32 $0x108;
	s8 =	sld [smem:$0x3FAA]  }
0x2e: {  	s3 =	simm.s32 @!p0 $0x1082;
	s9 =	sld [smem:$0x3FAB]  }
0x2f: {  	lr =	sadd.s32 s0, s3;
	s0 =	sld [smem:$0x3FA2]  }
0x30: {  	s3 =	sld [smem:$0x3FA5]  }
0x31: {  	[smem:$0x3FAE] =	sst s10  }
0x32: {  	s10 =	sld [smem:$0x3FAC];
	_ =	sdelay $0x3  }
0x33: {  	p0 =	seq.s32 s10, $0x1;
	s10 =	sld [smem:$0x3FAE];
	_ =	sdelay $0x3  }
0x34: {  	[smem:$0x3FAE] =	sst s10  }
0x35: {  	s10 =	sld [smem:$0x3FAD];
	_ =	sdelay $0x3  }
0x36: {  	p1 =	seq.s32 s10, $0x1;
	s10 =	sld [smem:$0x3FAE];
	_ =	sdelay $0x3  }
0x37: {  	[smem:$0x3FAE] =	sst s10  }
0x38: {  	s10 =	sld [smem:$0x3FAF]  }
0x39: {  	_ = 	snop;
	(pc) =	sbr.ind lr, $3  }
0x3a: {  	_ = 	snop  }
0x3b: {  	_ = 	snop  }
0x3c: {  	p2 =	seq.s32 s10, $0x1;
	s10 =	sld [smem:$0x3FAE]  }
0x3d: {  	_ =	shalt  }
0x3e: {  	_ =	shalt  }
0x3f: {  	_ =	shalt  }
0x40: {  	_ =	shalt  }
0x41: {  	_ =	shalt  }
0x42: {  	_ =	shalt  }
0x43: {  	_ =	shalt  }
0x44: {  	_ =	shalt  }
0x45: {  	_ =	shalt  }
0x46: {  	_ =	shalt  }
0x47: {  	_ =	shalt  }
0x48: {  	_ =	shalt  }
0x49: {  	_ =	shalt  }
0x4a: {  	_ =	shalt  }
0x4b: {  	_ =	shalt  }
0x4c: {  	_ =	shalt  }
0x4d: {  	_ =	shalt  }
0x4e: {  	_ =	shalt  }
0x4f: {  	_ =	shalt  }
0x50: {  	_ =	shalt  }
0x51: {  	_ =	shalt  }
0x52: {  	_ =	shalt  }
0x53: {  	_ =	shalt  }
0x54: {  	_ =	shalt  }
0x55: {  	_ =	shalt  }
0x56: {  	_ =	shalt  }
0x57: {  	_ =	shalt  }
0x58: {  	_ =	shalt  }
0x59: {  	_ =	shalt  }
0x5a: {  	_ =	shalt  }
0x5b: {  	_ =	shalt  }
0x5c: {  	_ =	shalt  }
0x5d: {  	_ =	shalt  }
0x5e: {  	_ =	shalt  }
0x5f: {  	_ =	shalt  }
0x60: {  	_ =	shalt  }
0x61: {  	_ =	shalt  }
0x62: {  	_ =	shalt  }
0x63: {  	_ =	shalt  }
0x64: {  	_ =	shalt  }
0x65: {  	_ =	shalt  }
0x66: {  	_ =	shalt  }
0x67: {  	_ =	shalt  }
0x68: {  	_ =	shalt  }
0x69: {  	_ =	shalt  }
0x6a: {  	_ =	shalt  }
0x6b: {  	_ =	shalt  }
0x6c: {  	_ =	shalt  }
0x6d: {  	_ =	shalt  }
0x6e: {  	_ =	shalt  }
0x6f: {  	_ =	shalt  }
0x70: {  	_ =	shalt  }
0x71: {  	_ =	shalt  }
0x72: {  	_ =	shalt  }
0x73: {  	_ =	shalt  }
0x74: {  	_ =	shalt  }
0x75: {  	_ =	shalt  }
0x76: {  	_ =	shalt  }
0x77: {  	_ =	shalt  }
0x78: {  	_ =	shalt  }
0x79: {  	_ =	shalt  }
0x7a: {  	_ =	shalt  }
0x7b: {  	_ =	shalt  }
0x7c: {  	_ =	shalt  }
0x7d: {  	_ =	shalt  }
0x7e: {  	_ =	shalt  }
0x7f: {  	_ =	shalt  }
0x80: {  	_ =	shalt  }
0x81: {  	_ =	shalt  }
0x82: {  	_ =	shalt  }
0x83: {  	_ =	shalt  }
0x84: {  	_ =	shalt  }
0x85: {  	_ =	shalt  }
0x86: {  	_ =	shalt  }
0x87: {  	_ =	shalt  }
.Lfunc_end0:
.L_simem_size_0:
called_computation_lowered:
.L_overlay_start_0:
0x88: {  	s2 =	sld [smem:$0x3FD9]  }
0x89: {  	s3 =	sld [smem:$0x3FFE];
	_ =	sdelay $0x1  }
0x8a: {  	s1 =	srdreg.scid  }
0x8b: {  	s0 =	sand.u32 $0x1, s1  }
0x8c: {  	s17 =	sshll.u32 s0, $0xA;
	s2 =	sadd.s32 s3, s2  }
0x8d: {  	s2 =	sadd.s32 s2, s17  }
0x8e: {  	[smem:$0x3FBA] =	sst s2  }
0x8f: {  	_ = 	snop  }
0x90: {  	s2 =	sld [smem:$0x3FC6];
	(tm) =	ssettm $0x1  }
0x91: {  	s18 =	sld [smem:$0x3FFB];
	_ =	sdelay $0x3  }
0x92: {  	_ =	strace s18  }
0x93: {  	s3 =	sld [smem:$0x3FFC];
	_ =	sdelay $0x3  }
0x94: {  	_ =	strace s3  }
0x95: {  	s3 =	sld [smem:$0x3FFD];
	_ =	sdelay $0x3  }
0x96: {  	_ =	strace s3  }
0x97: {  	_ =	strace $0x8FFFFFFF  }
0x98: {  	s19 =	sld [smem:$0x3FDB];
	_ =	sdelay $0x1  }
0x99: {  	s4 =	simm.s32 $_scs_section_size  }
0x9a: {  	s5 =	simm.s32 $_size__tile_overlayer_lowered;
	s6 =	simm.s32 $_tile_overlayer_lowered  }
0x9b: {  	s22 =	simm.s32 $0x1BFF;
	s21 =	sshll.u32 s6, $0x1;
	s3 =	sadd.s32 s4, s19  }
0x9c: {  	s7 =	simm.s32 $0x0;
	s20 =	sshll.u32 s5, $0x1;
	s5 =	sadd.s32 s21, s3  }
0x9d: {  	[timem:s7], [sflag:s22] =	dma.local [hbm:s5], s20  }
0x9e: {  	_ =	swait.ge [sflag:s22], s20  }
0x9f: {  	s4 =	ssub.s32 $0x0, s20;
	[sflag:s22] =	ssyncset.done $0x0  }
0xa0: {  	[sflag:s22] =	ssyncadd.s32 s4;
	_ =	sdelay $0x1  }
0xa1: {  	s23 =	simm.s32 $0x1B8B  }
0xa2: {  	_ =	swait.ge [sflag:s23], $0x1  }
0xa3: {  	[sflag:s23] =	ssyncset.done $0x0  }
0xa4: {  	s25 =	simm.s32 $0x1B8E;
	s24 =	sld [smem:$0x3FFE];
	[sflag:s23] =	ssyncadd.s32 $0xFFFFFFFF  }
0xa5: {  	s26 =	simm.s32 $execute0_lowered;
	[smem:$0x3FD2] =	sst s25  }
0xa6: {  	s5 =	sshll.u32 s26, $0x1;
	_ =	strace $0x80000046;
	[dreg:$0x1] =	wrdreg $0xFFFFFFFF  }
0xa7: {  	s28 =	simm.s32 $_size_execute0_lowered;
	s3 =	sadd.s32 s3, s5;
	[dreg:$0x0] =	wrdreg $0x0  }
0xa8: {  	s5 =	sshll.u32 s28, $0x1;
	[dreg:$0x2] =	wrdreg s3  }
0xa9: {  	[dreg:$0x3] =	wrdreg s5  }
0xaa: {  	[dreg:$0x4] =	wrdreg $0xC0  }
0xab: {  	_ =	task [dreg:s7], $0x5FFFF  }
0xac: {  	[dreg:$0x1] =	wrdreg $0xFFFFFFFF  }
0xad: {  	[dreg:$0x0] =	wrdreg $0x60  }
0xae: {  	[dreg:$0x2] =	wrdreg s2  }
0xaf: {  	[dreg:$0x3] =	wrdreg s24  }
0xb0: {  	[dreg:$0x4] =	wrdreg $0x9  }
0xb1: {  	_ =	task.clear_ibuf [dreg:s7], $0x5FFFF;
	_ =	strace $0x90000046  }
0xb2: {  	s29 =	simm.s32 $0x9;
	_ =	strace $0x80000048  }
0xb3: {  	_ =	swait.ge [sflag:s29], $0x1  }
0xb4: {  	[sflag:s29] =	ssyncadd.s32 $0xFFFFFFFF  }
0xb5: {  	_ =	strace $0x90000048  }
0xb6: {  	_ =	sfence  }
0xb7: {  	s30 =	sld [smem:$0x0];
	_ =	sdelay $0x2  }
0xb8: {  	s31 =	sshll.u32 s1, $0xD;
	s1 =	sshrl.u32 s1, $0x2  }
0xb9: {  	s3 =	sand.u32 $0x4000, s31;
	s1 =	sadd.s32 s1, s30  }
0xba: {  	s0 =	sor.u32 s3, s0;
	s1 =	sshll.u32 s1, $0x11  }
0xbb: {  	s0 =	sor.u32 s1, s0  }
0xbc: {  	s0 =	sadd.s32 $0x8F2B, s0  }
0xbd: {  	[sflag:s0] =	ssyncadd.remote.s32 $0x1  }
0xbe: {  	_ =	sfence.sel $0xFFFF  }
0xbf: {  	[dreg:$0x0] =	wrdreg $0xFFFFFFFF;
	(pc) =	sbr.abs _section_cstart, $3  }
0xc0: {  	[dreg:$0x1] =	wrdreg $0xFFFFFFFF  }
0xc1: {  	_ =	task.clear_ibuf [dreg:s7], $0x2FFFF;
	_ =	strace $0x9FFFFFFF  }
0xc2: {  	(tm) =	ssettm $0x7FFFFFFF  }
0xc3: {  	_ =	shalt  }
tec
execute0_lowered:
.L_overlay_start_1:
0x0: {  	(tag) =	ssettag $0x1  }
0x1: {  	s1 =	stileid.u32  }
0x2: {  	p0 =	sgt.u32 s1, $0x7  }
.Ltmp0:
0x3: {  	_ = 	snop;
	(pc) =	sbr.rel @p0 .LBB2_4-.Ltmp0, $4  }
0x4: {  	s2 =	rddreg [dreg:$0x0]  }
0x5: {  	s9 =	rddreg [dreg:$0x1];
	s3 =	simm.s32 $0x0  }
0x6: {  	[smem:$0x7FF] =	sst s3  }
0x7: {  	s0 =	rddreg [dreg:$0x2];
	_ =	strace $0x80000047  }
0x8: {  	s4 =	srdreg.scid  }
0x9: {  	s29 =	sshll.u32 s1, $0x1;
	s5 =	sadd.s32 $0xE00, s9;
	s6 =	sand.u32 $0x1, s4  }
0xa: {  	s7 =	simm.s32 $0x80;
	s8 =	simm.s32 $0x1;
	s10 =	sor.u32 s6, s29  }
0xb: {  	s4 =	simm.s32 $0x2;
	s11 =	ssub.s32 $0x2, s6;
	s5 =	sadd.s32 s5, s10  }
0xc: {  	[tilespmem:s3], [sflag:$0x2] =	stream.linear.gather [hbm4b:s5+s3], $0x8, $0x38;
	[tilespmem:$0x480] =	vst v63  }
0xd: {  	s6 =	simm.s32 $0x8;
	s12 =	sshrl.u32 s11, $0x1;
	_ =	swait.ge [sflag:s4], $0x8  }
0xe: {  	s10 =	sshll.u32 s10, $0x7;
	s31 =	ssub.s32 s11, s12;
	[sflag:s4] =	ssyncset.done $0x0  }
0xf: {  	s30 =	sadd.s32 s10, s9;
	s10 =	smax.u32 s31, $0x1;
	[sflag:s4] =	ssyncadd.s32 $0xFFFFFFF8  }
0x10: {  	[tilespmem:s7], [sflag:$0x1] =	stream.indirect.gather [hbm4b:s2+s6], $0x80, s3, s6, $0xb8;
	[tilespmem:$0x480] =	vst v63  }
0x11: {  	p0 =	sne.s32 s10, $0x1;
	_ =	swait.ge [sflag:s8], $0x400  }
.Ltmp1:
0x12: {  	[sflag:s8] =	ssyncset.done $0x0;
	(pc) =	sbr.rel @!p0 .LBB2_3-.Ltmp1, $4  }
0x13: {  	s9 =	sadd.s32 $0x1000, s30;
	[sflag:s8] =	ssyncadd.s32 $0xFFFFFC00  }
0x14: {  	[hbm4b:s9+s3] =	stream.linear.scatter [tilespmem:s7], [sflag:$0x2], $0x400, $0x38;
	[tilespmem:$0x480] =	vst v63  }
0x15: {  	_ =	swait.ge [sflag:s4], $0x400  }
0x16: {  	s10 =	sadd.s32 $0xFFFFFFFF, s10;
	[sflag:s4] =	ssyncset.done $0x0  }
.LBB2_2:
0x17: {  	p0 =	sne.s32 s10, $0x1;
	s10 =	sadd.s32 $0xFFFFFFFF, s10;
	[sflag:s4] =	ssyncadd.s32 $0xFFFFFC00  }
0x18: {  	[tilespmem:s3], [sflag:$0x2] =	stream.linear.gather [hbm4b:s5+s3], $0x8, $0x38;
	[tilespmem:$0x480] =	vst v63  }
0x19: {  	_ =	swait.ge [sflag:s4], $0x8  }
0x1a: {  	[sflag:s4] =	ssyncset.done $0x0  }
0x1b: {  	[sflag:s4] =	ssyncadd.s32 $0xFFFFFFF8  }
0x1c: {  	[tilespmem:s7], [sflag:$0x1] =	stream.indirect.gather [hbm4b:s2+s6], $0x80, s3, s6, $0xb8;
	[tilespmem:$0x480] =	vst v63  }
0x1d: {  	_ =	swait.ge [sflag:s8], $0x400  }
.Ltmp2:
0x1e: {  	[sflag:s8] =	ssyncset.done $0x0;
	(pc) =	sbr.rel @p0 .LBB2_2-.Ltmp2, $4  }
0x1f: {  	[sflag:s8] =	ssyncadd.s32 $0xFFFFFC00  }
0x20: {  	[hbm4b:s9+s3] =	stream.linear.scatter [tilespmem:s7], [sflag:$0x2], $0x400, $0x38;
	[tilespmem:$0x480] =	vst v63  }
0x21: {  	_ =	swait.ge [sflag:s4], $0x400  }
0x22: {  	[sflag:s4] =	ssyncset.done $0x0  }
.LBB2_3:
0x23: {  	[sflag:s4] =	ssyncadd.s32 $0xFFFFFC00  }
.LBB2_4:
0x24: {  	_ =	sfence.sel $0x180000  }
0x25: {  	[bflag:$0x0] =	sbarrier.arrive $0xFFFF  }
0x26: {  	p0 =	sne.s32 s1, $0x0;
	_ =	strace $0x90000047  }
0x27: {  	s0 =	sadd.s32 @!p0 $0x100000, s0;
	[bflag:$0x2] =	sbarrier.arrive $0xFFFF  }
0x28: {  	[sflag:s0] =	ssyncadd.tile.s32 @!p0 $0x1;
	_ =	shalt  }
.Lfunc_end2:
_tile_overlayer_lowered:
.L_overlay_start_2:
0x29: {  	(tag) =	ssettag $0x2  }
0x2a: {  	s0 =	rddreg [dreg:$0x0];
	s2 =	stileid.u32  }
0x2b: {  	s1 =	rddreg [dreg:$0x1];
	p0 =	sne.s32 s2, $0x0  }
0x2c: {  	s3 =	rddreg [dreg:$0x2];
	[bflag:$0x3] =	sbarrier.arrive $0xFFFF;
	s2 =	simm.s32 @!p0 $0x1C02  }
0x2d: {  	[timem:s3], [sflag:s2] =	dma.local @!p0 [hbm:s0], s1  }
0x2e: {  	s0 =	simm.s32 @!p0 $0x2  }
0x2f: {  	_ =	swait.ge @!p0 [sflag:s0], s1  }
0x30: {  	s1 =	ssub.s32 @!p0 $0x0, s1;
	[sflag:s0] =	ssyncset.done @!p0 $0x0  }
0x31: {  	[sflag:s0] =	ssyncadd.s32 @!p0 s1  }
0x32: {  	[bflag:$0x3] =	sbarrier.arrive $0xFFFF  }
0x33: {  	_ =	shalt  }

</sc_bundles>
